<compile_context>
chip_gen: v7x
topology: tpu7x:2x2x1
jax: 0.10.2.dev20260603
libtpu: 0.0.44.dev20260713+nightly
codegen_flags: <defaults>
</compile_context>

<pallas_src>
import functools

import jax
import jax.numpy as jnp
from jax import lax
from jax.experimental import pallas as pl
from jax.experimental.pallas import tpu as pltpu
from jax.experimental.pallas import tpu_sc as plsc

NUM_CLASSES = 5
PROJECT_DIM = 256
REPEAT = 128
_LANES = 16

_NC = 1
_NS = 16
_NW = _NC * _NS
_ROWS_PER_W = REPEAT // _NW


def _body(lab_hbm, tab_hbm, out_hbm, lab_v, tab_v, out_v, sem_l, sem_t):
    wid = lax.axis_index("s") * _NC + lax.axis_index("c")
    lab_v[...] = jnp.zeros((_LANES,), jnp.int32)
    cp_l = pltpu.async_copy(lab_hbm.at[0], lab_v.at[pl.ds(0, NUM_CLASSES)],
                            sem_l)
    cp_t = pltpu.async_copy(tab_hbm, tab_v, sem_t)
    cp_l.wait()

    lab = lab_v[...]
    mask = (lab == 1).astype(jnp.float32)
    lane = lax.broadcasted_iota(jnp.int32, (_LANES,), 0)
    cnt = jnp.sum(mask)
    no_active = (cnt == 0.0).astype(jnp.float32)
    fallback = (lane == 0).astype(jnp.float32)
    w = mask + fallback * no_active
    denom = jnp.sum(w)
    wi = [jnp.sum(w * (lane == i).astype(jnp.float32))
          for i in range(NUM_CLASSES)]

    cp_t.wait()

    def _chunk(c, carry):
        sl = pl.ds(c * _LANES, _LANES)
        acc = wi[0] * tab_v[0, sl]
        for i in range(1, NUM_CLASSES):
            acc = acc + wi[i] * tab_v[i, sl]
        acc = acc / denom
        for r in range(_ROWS_PER_W):
            out_v[r, sl] = acc
        return carry

    lax.fori_loop(0, PROJECT_DIM // _LANES, _chunk, 0, unroll=False)

    pltpu.sync_copy(out_v, out_hbm.at[pl.ds(wid * _ROWS_PER_W, _ROWS_PER_W)])


@functools.cache
def _sc_call():
    return pl.kernel(
        _body,
        out_type=jax.ShapeDtypeStruct((REPEAT, PROJECT_DIM), jnp.float32),
        compiler_params=pltpu.CompilerParams(needs_layout_passes=False),
        mesh=plsc.VectorSubcoreMesh(core_axis_name="c", subcore_axis_name="s",
                                    num_cores=_NC, num_subcores=_NS),
        scratch_types=[
            pltpu.VMEM((_LANES,), jnp.int32),
            pltpu.VMEM((NUM_CLASSES, PROJECT_DIM), jnp.float32),
            pltpu.VMEM((_ROWS_PER_W, PROJECT_DIM), jnp.float32),
            pltpu.SemaphoreType.DMA,
            pltpu.SemaphoreType.DMA,
        ],
    )


def kernel(disease_labels_batch, precomputed_embeddings):
    out = _sc_call()(disease_labels_batch.astype(jnp.int32),
                     precomputed_embeddings.astype(jnp.float32))
    return out[None, :, :]

# --- scband reference (transcript-rebuilt; emitter-appended) ---
"""Pipeline reference for scband-get-embd-31482110279996 (READ-ONLY COPY).

The authoritative reference and input builder live on the scoring server;
editing this copy changes nothing except your own understanding.
"""

import jax, jax.numpy as jnp
import numpy as np

NUM_CLASSES = 5
PROJECT_DIM = 256
REPEAT = 128


def setup_inputs(seed: int = 0) -> dict:
    key = jax.random.key(seed)
    k1, k2 = jax.random.split(key)
    # multi-hot disease labels, values in {0, 1}
    disease_labels_batch = jax.random.randint(k1, (1, NUM_CLASSES), 0, 2)
    # stand-in for the frozen, precomputed BERT disease-description embeddings
    # (original: dict idx -> [1, 256]; here a dense table [5, 256])
    precomputed_embeddings = jax.random.normal(k2, (NUM_CLASSES, PROJECT_DIM), dtype=jnp.float32)
    return {"disease_labels_batch": disease_labels_batch,
            "precomputed_embeddings": precomputed_embeddings}


def reference(disease_labels_batch, precomputed_embeddings):
    # batch_size is hardcoded to 1 in the original module
    labels = disease_labels_batch[0]  # [5]
    mask = (labels == 1).astype(jnp.float32)  # active label indicator
    has_active = jnp.sum(mask) > 0
    # original falls back to label 0 when no labels are active
    fallback = jnp.zeros_like(mask).at[0].set(1.0)
    w = jnp.where(has_active, mask, fallback)  # [5]
    # mean over selected embeddings == weighted sum / count
    selected_sum = jnp.sum(w[:, None] * precomputed_embeddings, axis=0)  # [256]
    final_embedding = selected_sum / jnp.sum(w)  # [256]
    # .repeat(128, 1) -> [128, 256]
    final_embedding = jnp.tile(final_embedding[None, :], (REPEAT, 1))
    # original returns a python list of per-sample tensors; stack to [1, 128, 256]
    return final_embedding[None, :, :]

if __name__ == "__main__":
    import jax
    _d = setup_inputs()
    print(jax.jit(kernel)(*tuple(_d.values())))

</pallas_src>

<mosaic_0001>
#map = affine_map<(d0, d1) -> (0, 0)>
module attributes {stable_mosaic.version = 14 : i64} {
  func.func @_body(%arg0: i32, %arg1: i32, %arg2: memref<1x5xi32, #tpu.memory_space<hbm>>, %arg3: memref<5x256xf32, #tpu.memory_space<hbm>>, %arg4: memref<128x256xf32, #tpu.memory_space<hbm>>, %arg5: memref<16xi32, #tpu.memory_space<vmem>>, %arg6: memref<5x256xf32, #tpu.memory_space<vmem>>, %arg7: memref<8x256xf32, #tpu.memory_space<vmem>>, %arg8: memref<!tpu.dma_semaphore, #tpu.memory_space<semaphore_mem>>, %arg9: memref<!tpu.dma_semaphore, #tpu.memory_space<semaphore_mem>>) attributes {dimension_semantics = [#tpu.dimension_semantics<core_parallel>, #tpu.dimension_semantics<subcore_parallel>], iteration_bounds = array<i64: 1, 16>, scalar_prefetch = 0 : i64, scratch_operands = 5 : i64, tpu.core_type = #tpu.core_type<sc_vector_subcore>, window_params = [{transform_indices = #map}, {transform_indices = #map}, {transform_indices = #map}]} {
    %mul3A = arith.constant 1 : i32
    %mul3A_0 = arith.muli %arg1, %mul3A : i32
    %add3A = arith.addi %mul3A_0, %arg0 : i32
    %broadcast_in_dim3A = arith.constant 0 : i32
    %broadcast_in_dim3A_1 = vector.broadcast %broadcast_in_dim3A : i32 to vector<16xi32>
    %swap3A = arith.constant 0 : index
    %swap3A_2 = tpu.vector_load %arg5[%swap3A] {strides = array<i32>} : memref<16xi32, #tpu.memory_space<vmem>>, vector<16xi32>,
    tpu.vector_store %arg5[%swap3A], %broadcast_in_dim3A_1 {strides = array<i32>} : memref<16xi32, #tpu.memory_space<vmem>>, vector<16xi32>,
    %dma_start3A = arith.constant 0 : i32
    %dma_start3A_3 = arith.constant 0 : i32
    %dma_start3A_4 = tpu.memref_slice %arg5[%dma_start3A_3] : memref<16xi32, #tpu.memory_space<vmem>> -> memref<5xi32, #tpu.memory_space<vmem>>
    %dma_start3A_5 = arith.constant 0 : i32
    %dma_start3A_6 = tpu.memref_slice %arg2[%dma_start3A, %dma_start3A_5] : memref<1x5xi32, #tpu.memory_space<hbm>> -> memref<1x5xi32, #tpu.memory_space<hbm>>
    %dma_start3A_7 = tpu.memref_squeeze %dma_start3A_6 : memref<1x5xi32, #tpu.memory_space<hbm>> -> memref<5xi32, #tpu.memory_space<hbm>>
    %dma_start3A_8 = arith.constant 0 : i32
    %dma_start3A_9 = tpu.memref_slice %arg5[%dma_start3A_8] : memref<16xi32, #tpu.memory_space<vmem>> -> memref<5xi32, #tpu.memory_space<vmem>>
    %dma_start3A_10 = arith.constant 0 : i32
    %dma_start3A_11 = tpu.memref_slice %arg2[%dma_start3A, %dma_start3A_10] : memref<1x5xi32, #tpu.memory_space<hbm>> -> memref<1x5xi32, #tpu.memory_space<hbm>>
    %dma_start3A_12 = tpu.memref_squeeze %dma_start3A_11 : memref<1x5xi32, #tpu.memory_space<hbm>> -> memref<5xi32, #tpu.memory_space<hbm>>
    tpu.enqueue_dma source(%dma_start3A_12 : memref<5xi32, #tpu.memory_space<hbm>>) target(%dma_start3A_9 : memref<5xi32, #tpu.memory_space<vmem>>) target_semaphore(%arg8 : memref<!tpu.dma_semaphore, #tpu.memory_space<semaphore_mem>>)
    tpu.enqueue_dma source(%arg3 : memref<5x256xf32, #tpu.memory_space<hbm>>) target(%arg6 : memref<5x256xf32, #tpu.memory_space<vmem>>) target_semaphore(%arg9 : memref<!tpu.dma_semaphore, #tpu.memory_space<semaphore_mem>>)
    %dma_wait3A = arith.constant 0 : i32
    %dma_wait3A_13 = arith.constant 0 : i32
    %dma_wait3A_14 = tpu.memref_slice %arg5[%dma_wait3A_13] : memref<16xi32, #tpu.memory_space<vmem>> -> memref<5xi32, #tpu.memory_space<vmem>>
    %dma_wait3A_15 = arith.constant 0 : i32
    %dma_wait3A_16 = tpu.memref_slice %arg2[%dma_wait3A, %dma_wait3A_15] : memref<1x5xi32, #tpu.memory_space<hbm>> -> memref<1x5xi32, #tpu.memory_space<hbm>>
    %dma_wait3A_17 = tpu.memref_squeeze %dma_wait3A_16 : memref<1x5xi32, #tpu.memory_space<hbm>> -> memref<5xi32, #tpu.memory_space<hbm>>
    %dma_wait3A_18 = arith.constant 0 : i32
    %dma_wait3A_19 = tpu.memref_slice %arg5[%dma_wait3A_18] : memref<16xi32, #tpu.memory_space<vmem>> -> memref<5xi32, #tpu.memory_space<vmem>>
    %dma_wait3A_20 = arith.constant 0 : i32
    %dma_wait3A_21 = tpu.memref_slice %arg2[%dma_wait3A, %dma_wait3A_20] : memref<1x5xi32, #tpu.memory_space<hbm>> -> memref<1x5xi32, #tpu.memory_space<hbm>>
    %dma_wait3A_22 = tpu.memref_squeeze %dma_wait3A_21 : memref<1x5xi32, #tpu.memory_space<hbm>> -> memref<5xi32, #tpu.memory_space<hbm>>
    tpu.wait_dma2 semaphore(%arg8 : memref<!tpu.dma_semaphore, #tpu.memory_space<semaphore_mem>>) src(%dma_wait3A_22 : memref<5xi32, #tpu.memory_space<hbm>>) dst(%dma_wait3A_19 : memref<5xi32, #tpu.memory_space<vmem>>)
    %get3A = arith.constant 0 : index
    %get3A_23 = tpu.vector_load %arg5[%get3A] {strides = array<i32>} : memref<16xi32, #tpu.memory_space<vmem>>, vector<16xi32>,
    %eq3A = arith.constant 1 : i32
    %eq3A_24 = vector.broadcast %eq3A : i32 to vector<16xi32>
    %eq3A_25 = arith.cmpi eq, %get3A_23, %eq3A_24 : vector<16xi32>
    %convert_element_type3A = arith.extui %eq3A_25 : vector<16xi1> to vector<16xi32>
    %convert_element_type3A_26 = arith.sitofp %convert_element_type3A : vector<16xi32> to vector<16xf32>
    %iota3A = tpu.iota {dimensions = array<i32: 0>} : vector<16xi32>
    %reduce_sum3A = arith.constant true
    %reduce_sum3A_27 = vector.broadcast %reduce_sum3A : i1 to vector<16xi1>
    %reduce_sum3A_28 = tpu.scan <sum>, %convert_element_type3A_26 masked %reduce_sum3A_27 : vector<16xf32>, vector<16xi1> -> vector<16xf32>
    %reduce_sum3A_29 = vector.extract %reduce_sum3A_28[15] : f32 from vector<16xf32>
    %eq3A_30 = arith.constant 0.000000e+00 : f32
    %eq3A_31 = arith.cmpf oeq, %reduce_sum3A_29, %eq3A_30 : f32
    %convert_element_type3A_32 = arith.extui %eq3A_31 : i1 to i32
    %convert_element_type3A_33 = arith.sitofp %convert_element_type3A_32 : i32 to f32
    %eq3A_34 = arith.constant 0 : i32
    %eq3A_35 = vector.broadcast %eq3A_34 : i32 to vector<16xi32>
    %eq3A_36 = arith.cmpi eq, %iota3A, %eq3A_35 : vector<16xi32>
    %convert_element_type3A_37 = arith.extui %eq3A_36 : vector<16xi1> to vector<16xi32>
    %convert_element_type3A_38 = arith.sitofp %convert_element_type3A_37 : vector<16xi32> to vector<16xf32>
    %mul3A_39 = vector.broadcast %convert_element_type3A_33 : f32 to vector<16xf32>
    %mul3A_40 = arith.mulf %convert_element_type3A_38, %mul3A_39 : vector<16xf32>
    %add3A_41 = arith.addf %convert_element_type3A_26, %mul3A_40 : vector<16xf32>
    %reduce_sum3A_42 = arith.constant true
    %reduce_sum3A_43 = vector.broadcast %reduce_sum3A_42 : i1 to vector<16xi1>
    %reduce_sum3A_44 = tpu.scan <sum>, %add3A_41 masked %reduce_sum3A_43 : vector<16xf32>, vector<16xi1> -> vector<16xf32>
    %reduce_sum3A_45 = vector.extract %reduce_sum3A_44[15] : f32 from vector<16xf32>
    %eq3A_46 = arith.constant 0 : i32
    %eq3A_47 = vector.broadcast %eq3A_46 : i32 to vector<16xi32>
    %eq3A_48 = arith.cmpi eq, %iota3A, %eq3A_47 : vector<16xi32>
    %convert_element_type3A_49 = arith.extui %eq3A_48 : vector<16xi1> to vector<16xi32>
    %convert_element_type3A_50 = arith.sitofp %convert_element_type3A_49 : vector<16xi32> to vector<16xf32>
    %mul3A_51 = arith.mulf %add3A_41, %convert_element_type3A_50 : vector<16xf32>
    %reduce_sum3A_52 = arith.constant true
    %reduce_sum3A_53 = vector.broadcast %reduce_sum3A_52 : i1 to vector<16xi1>
    %reduce_sum3A_54 = tpu.scan <sum>, %mul3A_51 masked %reduce_sum3A_53 : vector<16xf32>, vector<16xi1> -> vector<16xf32>
    %reduce_sum3A_55 = vector.extract %reduce_sum3A_54[15] : f32 from vector<16xf32>
    %eq3A_56 = arith.constant 1 : i32
    %eq3A_57 = vector.broadcast %eq3A_56 : i32 to vector<16xi32>
    %eq3A_58 = arith.cmpi eq, %iota3A, %eq3A_57 : vector<16xi32>
    %convert_element_type3A_59 = arith.extui %eq3A_58 : vector<16xi1> to vector<16xi32>
    %convert_element_type3A_60 = arith.sitofp %convert_element_type3A_59 : vector<16xi32> to vector<16xf32>
    %mul3A_61 = arith.mulf %add3A_41, %convert_element_type3A_60 : vector<16xf32>
    %reduce_sum3A_62 = arith.constant true
    %reduce_sum3A_63 = vector.broadcast %reduce_sum3A_62 : i1 to vector<16xi1>
    %reduce_sum3A_64 = tpu.scan <sum>, %mul3A_61 masked %reduce_sum3A_63 : vector<16xf32>, vector<16xi1> -> vector<16xf32>
    %reduce_sum3A_65 = vector.extract %reduce_sum3A_64[15] : f32 from vector<16xf32>
    %eq3A_66 = arith.constant 2 : i32
    %eq3A_67 = vector.broadcast %eq3A_66 : i32 to vector<16xi32>
    %eq3A_68 = arith.cmpi eq, %iota3A, %eq3A_67 : vector<16xi32>
    %convert_element_type3A_69 = arith.extui %eq3A_68 : vector<16xi1> to vector<16xi32>
    %convert_element_type3A_70 = arith.sitofp %convert_element_type3A_69 : vector<16xi32> to vector<16xf32>
    %mul3A_71 = arith.mulf %add3A_41, %convert_element_type3A_70 : vector<16xf32>
    %reduce_sum3A_72 = arith.constant true
    %reduce_sum3A_73 = vector.broadcast %reduce_sum3A_72 : i1 to vector<16xi1>
    %reduce_sum3A_74 = tpu.scan <sum>, %mul3A_71 masked %reduce_sum3A_73 : vector<16xf32>, vector<16xi1> -> vector<16xf32>
    %reduce_sum3A_75 = vector.extract %reduce_sum3A_74[15] : f32 from vector<16xf32>
    %eq3A_76 = arith.constant 3 : i32
    %eq3A_77 = vector.broadcast %eq3A_76 : i32 to vector<16xi32>
    %eq3A_78 = arith.cmpi eq, %iota3A, %eq3A_77 : vector<16xi32>
    %convert_element_type3A_79 = arith.extui %eq3A_78 : vector<16xi1> to vector<16xi32>
    %convert_element_type3A_80 = arith.sitofp %convert_element_type3A_79 : vector<16xi32> to vector<16xf32>
    %mul3A_81 = arith.mulf %add3A_41, %convert_element_type3A_80 : vector<16xf32>
    %reduce_sum3A_82 = arith.constant true
    %reduce_sum3A_83 = vector.broadcast %reduce_sum3A_82 : i1 to vector<16xi1>
    %reduce_sum3A_84 = tpu.scan <sum>, %mul3A_81 masked %reduce_sum3A_83 : vector<16xf32>, vector<16xi1> -> vector<16xf32>
    %reduce_sum3A_85 = vector.extract %reduce_sum3A_84[15] : f32 from vector<16xf32>
    %eq3A_86 = arith.constant 4 : i32
    %eq3A_87 = vector.broadcast %eq3A_86 : i32 to vector<16xi32>
    %eq3A_88 = arith.cmpi eq, %iota3A, %eq3A_87 : vector<16xi32>
    %convert_element_type3A_89 = arith.extui %eq3A_88 : vector<16xi1> to vector<16xi32>
    %convert_element_type3A_90 = arith.sitofp %convert_element_type3A_89 : vector<16xi32> to vector<16xf32>
    %mul3A_91 = arith.mulf %add3A_41, %convert_element_type3A_90 : vector<16xf32>
    %reduce_sum3A_92 = arith.constant true
    %reduce_sum3A_93 = vector.broadcast %reduce_sum3A_92 : i1 to vector<16xi1>
    %reduce_sum3A_94 = tpu.scan <sum>, %mul3A_91 masked %reduce_sum3A_93 : vector<16xf32>, vector<16xi1> -> vector<16xf32>
    %reduce_sum3A_95 = vector.extract %reduce_sum3A_94[15] : f32 from vector<16xf32>
    tpu.wait_dma2 semaphore(%arg9 : memref<!tpu.dma_semaphore, #tpu.memory_space<semaphore_mem>>) src(%arg3 : memref<5x256xf32, #tpu.memory_space<hbm>>) dst(%arg6 : memref<5x256xf32, #tpu.memory_space<vmem>>)
    %scan3A = arith.constant 0 : i32
    %scan3A_96 = arith.constant 0 : i32
    %scan3A_97 = arith.constant 16 : i32
    %scan3A_98 = arith.addi %scan3A_96, %scan3A_97 : i32
    %scan3A_99 = arith.constant 1 : i32
    scf.for %scan3A_103 = %scan3A_96 to %scan3A_98 step %scan3A_99  : i32 {
      %mul3A_104 = arith.constant 16 : i32
      %mul3A_105 = arith.muli %scan3A_103, %mul3A_104 : i32
      %get3A_106 = arith.constant 0 : i32
      %get3A_107 = arith.index_cast %get3A_106 : i32 to index
      %get3A_108 = arith.index_cast %mul3A_105 : i32 to index
      %get3A_109 = tpu.vector_load %arg6[%get3A_107, %get3A_108] {strides = array<i32>} : memref<5x256xf32, #tpu.memory_space<vmem>>, vector<16xf32>,
      %mul3A_110 = vector.broadcast %reduce_sum3A_55 : f32 to vector<16xf32>
      %mul3A_111 = arith.mulf %mul3A_110, %get3A_109 : vector<16xf32>
      %get3A_112 = arith.constant 1 : i32
      %get3A_113 = arith.index_cast %get3A_112 : i32 to index
      %get3A_114 = arith.index_cast %mul3A_105 : i32 to index
      %get3A_115 = tpu.vector_load %arg6[%get3A_113, %get3A_114] {strides = array<i32>} : memref<5x256xf32, #tpu.memory_space<vmem>>, vector<16xf32>,
      %mul3A_116 = vector.broadcast %reduce_sum3A_65 : f32 to vector<16xf32>
      %mul3A_117 = arith.mulf %mul3A_116, %get3A_115 : vector<16xf32>
      %add3A_118 = arith.addf %mul3A_111, %mul3A_117 : vector<16xf32>
      %get3A_119 = arith.constant 2 : i32
      %get3A_120 = arith.index_cast %get3A_119 : i32 to index
      %get3A_121 = arith.index_cast %mul3A_105 : i32 to index
      %get3A_122 = tpu.vector_load %arg6[%get3A_120, %get3A_121] {strides = array<i32>} : memref<5x256xf32, #tpu.memory_space<vmem>>, vector<16xf32>,
      %mul3A_123 = vector.broadcast %reduce_sum3A_75 : f32 to vector<16xf32>
      %mul3A_124 = arith.mulf %mul3A_123, %get3A_122 : vector<16xf32>
      %add3A_125 = arith.addf %add3A_118, %mul3A_124 : vector<16xf32>
      %get3A_126 = arith.constant 3 : i32
      %get3A_127 = arith.index_cast %get3A_126 : i32 to index
      %get3A_128 = arith.index_cast %mul3A_105 : i32 to index
      %get3A_129 = tpu.vector_load %arg6[%get3A_127, %get3A_128] {strides = array<i32>} : memref<5x256xf32, #tpu.memory_space<vmem>>, vector<16xf32>,
      %mul3A_130 = vector.broadcast %reduce_sum3A_85 : f32 to vector<16xf32>
      %mul3A_131 = arith.mulf %mul3A_130, %get3A_129 : vector<16xf32>
      %add3A_132 = arith.addf %add3A_125, %mul3A_131 : vector<16xf32>
      %get3A_133 = arith.constant 4 : i32
      %get3A_134 = arith.index_cast %get3A_133 : i32 to index
      %get3A_135 = arith.index_cast %mul3A_105 : i32 to index
      %get3A_136 = tpu.vector_load %arg6[%get3A_134, %get3A_135] {strides = array<i32>} : memref<5x256xf32, #tpu.memory_space<vmem>>, vector<16xf32>,
      %mul3A_137 = vector.broadcast %reduce_sum3A_95 : f32 to vector<16xf32>
      %mul3A_138 = arith.mulf %mul3A_137, %get3A_136 : vector<16xf32>
      %add3A_139 = arith.addf %add3A_132, %mul3A_138 : vector<16xf32>
      %div3A = vector.broadcast %reduce_sum3A_45 : f32 to vector<16xf32>
      %div3A_140 = arith.divf %add3A_139, %div3A : vector<16xf32>
      %swap3A_141 = arith.constant 0 : i32
      %swap3A_142 = arith.index_cast %swap3A_141 : i32 to index
      %swap3A_143 = arith.index_cast %mul3A_105 : i32 to index
      %swap3A_144 = tpu.vector_load %arg7[%swap3A_142, %swap3A_143] {strides = array<i32>} : memref<8x256xf32, #tpu.memory_space<vmem>>, vector<16xf32>,
      tpu.vector_store %arg7[%swap3A_142, %swap3A_143], %div3A_140 {strides = array<i32>} : memref<8x256xf32, #tpu.memory_space<vmem>>, vector<16xf32>,
      %swap3A_145 = arith.constant 1 : i32
      %swap3A_146 = arith.index_cast %swap3A_145 : i32 to index
      %swap3A_147 = arith.index_cast %mul3A_105 : i32 to index
      %swap3A_148 = tpu.vector_load %arg7[%swap3A_146, %swap3A_147] {strides = array<i32>} : memref<8x256xf32, #tpu.memory_space<vmem>>, vector<16xf32>,
      tpu.vector_store %arg7[%swap3A_146, %swap3A_147], %div3A_140 {strides = array<i32>} : memref<8x256xf32, #tpu.memory_space<vmem>>, vector<16xf32>,
      %swap3A_149 = arith.constant 2 : i32
      %swap3A_150 = arith.index_cast %swap3A_149 : i32 to index
      %swap3A_151 = arith.index_cast %mul3A_105 : i32 to index
      %swap3A_152 = tpu.vector_load %arg7[%swap3A_150, %swap3A_151] {strides = array<i32>} : memref<8x256xf32, #tpu.memory_space<vmem>>, vector<16xf32>,
      tpu.vector_store %arg7[%swap3A_150, %swap3A_151], %div3A_140 {strides = array<i32>} : memref<8x256xf32, #tpu.memory_space<vmem>>, vector<16xf32>,
      %swap3A_153 = arith.constant 3 : i32
      %swap3A_154 = arith.index_cast %swap3A_153 : i32 to index
      %swap3A_155 = arith.index_cast %mul3A_105 : i32 to index
      %swap3A_156 = tpu.vector_load %arg7[%swap3A_154, %swap3A_155] {strides = array<i32>} : memref<8x256xf32, #tpu.memory_space<vmem>>, vector<16xf32>,
      tpu.vector_store %arg7[%swap3A_154, %swap3A_155], %div3A_140 {strides = array<i32>} : memref<8x256xf32, #tpu.memory_space<vmem>>, vector<16xf32>,
      %swap3A_157 = arith.constant 4 : i32
      %swap3A_158 = arith.index_cast %swap3A_157 : i32 to index
      %swap3A_159 = arith.index_cast %mul3A_105 : i32 to index
      %swap3A_160 = tpu.vector_load %arg7[%swap3A_158, %swap3A_159] {strides = array<i32>} : memref<8x256xf32, #tpu.memory_space<vmem>>, vector<16xf32>,
      tpu.vector_store %arg7[%swap3A_158, %swap3A_159], %div3A_140 {strides = array<i32>} : memref<8x256xf32, #tpu.memory_space<vmem>>, vector<16xf32>,
      %swap3A_161 = arith.constant 5 : i32
      %swap3A_162 = arith.index_cast %swap3A_161 : i32 to index
      %swap3A_163 = arith.index_cast %mul3A_105 : i32 to index
      %swap3A_164 = tpu.vector_load %arg7[%swap3A_162, %swap3A_163] {strides = array<i32>} : memref<8x256xf32, #tpu.memory_space<vmem>>, vector<16xf32>,
      tpu.vector_store %arg7[%swap3A_162, %swap3A_163], %div3A_140 {strides = array<i32>} : memref<8x256xf32, #tpu.memory_space<vmem>>, vector<16xf32>,
      %swap3A_165 = arith.constant 6 : i32
      %swap3A_166 = arith.index_cast %swap3A_165 : i32 to index
      %swap3A_167 = arith.index_cast %mul3A_105 : i32 to index
      %swap3A_168 = tpu.vector_load %arg7[%swap3A_166, %swap3A_167] {strides = array<i32>} : memref<8x256xf32, #tpu.memory_space<vmem>>, vector<16xf32>,
      tpu.vector_store %arg7[%swap3A_166, %swap3A_167], %div3A_140 {strides = array<i32>} : memref<8x256xf32, #tpu.memory_space<vmem>>, vector<16xf32>,
      %swap3A_169 = arith.constant 7 : i32
      %swap3A_170 = arith.index_cast %swap3A_169 : i32 to index
      %swap3A_171 = arith.index_cast %mul3A_105 : i32 to index
      %swap3A_172 = tpu.vector_load %arg7[%swap3A_170, %swap3A_171] {strides = array<i32>} : memref<8x256xf32, #tpu.memory_space<vmem>>, vector<16xf32>,
      tpu.vector_store %arg7[%swap3A_170, %swap3A_171], %div3A_140 {strides = array<i32>} : memref<8x256xf32, #tpu.memory_space<vmem>>, vector<16xf32>,
    }
    %scan3A_100 = arith.constant 16 : i32
    %mul3A_101 = arith.constant 8 : i32
    %mul3A_102 = arith.muli %add3A, %mul3A_101 : i32
    "tpu.region"() ({
      %run_scoped3A = tpu.sem_alloc : memref<!tpu.dma_semaphore, #tpu.memory_space<semaphore_mem>>
      %dma_start3A_103 = arith.constant 0 : i32
      %dma_start3A_104 = tpu.memref_slice %arg4[%mul3A_102, %dma_start3A_103] : memref<128x256xf32, #tpu.memory_space<hbm>> -> memref<8x256xf32, #tpu.memory_space<hbm>>
      %dma_start3A_105 = arith.constant 0 : i32
      %dma_start3A_106 = tpu.memref_slice %arg4[%mul3A_102, %dma_start3A_105] : memref<128x256xf32, #tpu.memory_space<hbm>> -> memref<8x256xf32, #tpu.memory_space<hbm>>
      tpu.enqueue_dma source(%arg7 : memref<8x256xf32, #tpu.memory_space<vmem>>) target(%dma_start3A_106 : memref<8x256xf32, #tpu.memory_space<hbm>>) target_semaphore(%run_scoped3A : memref<!tpu.dma_semaphore, #tpu.memory_space<semaphore_mem>>)
      %dma_wait3A_107 = arith.constant 0 : i32
      %dma_wait3A_108 = tpu.memref_slice %arg4[%mul3A_102, %dma_wait3A_107] : memref<128x256xf32, #tpu.memory_space<hbm>> -> memref<8x256xf32, #tpu.memory_space<hbm>>
      %dma_wait3A_109 = arith.constant 0 : i32
      %dma_wait3A_110 = tpu.memref_slice %arg4[%mul3A_102, %dma_wait3A_109] : memref<128x256xf32, #tpu.memory_space<hbm>> -> memref<8x256xf32, #tpu.memory_space<hbm>>
      tpu.wait_dma2 semaphore(%run_scoped3A : memref<!tpu.dma_semaphore, #tpu.memory_space<semaphore_mem>>) src(%arg7 : memref<8x256xf32, #tpu.memory_space<vmem>>) dst(%dma_wait3A_110 : memref<8x256xf32, #tpu.memory_space<hbm>>)
      tpu.yield
    }) : () -> ()
    return
  }
}

</mosaic_0001>

<sc_bundles>
// kernel: kernel.3.cloned.1.call-start
scs
__scs_entry_jumppad:
0x0: {  	(pc) =	sbr.rel $0x88, $3  }
0x1: {  	(tag) =	ssettag $0x0;
	lr =	simm.s32 $0x1  }
0x2: {  	[smem:$0x3F9F] =	sst lr;
	_ =	strace $0xD0000000  }
0x3: {  	_ = 	snop  }
0x4: {  	_ = 	snop  }
0x5: {  	_ = 	snop  }
0x6: {  	_ = 	snop  }
0x7: {  	_ = 	snop  }
__scs_overlays_trampoline_lowered:
0x8: {  	[smem:$0x3FAE] =	sst s0  }
0x9: {  	[smem:$0x3FAF] =	sst s1  }
0xa: {  	[smem:$0x3FB0] =	sst s2  }
0xb: {  	[smem:$0x3FB1] =	sst s3  }
0xc: {  	[smem:$0x3FB2] =	sst s4  }
0xd: {  	[smem:$0x3FB3] =	sst s5  }
0xe: {  	[smem:$0x3FB4] =	sst s6  }
0xf: {  	[smem:$0x3FB5] =	sst s7  }
0x10: {  	[smem:$0x3FB6] =	sst s8  }
0x11: {  	[smem:$0x3FB7] =	sst s9;
	s0 =	simm.s32 @!p0 $0x0  }
0x12: {  	s1 =	sld [smem:$0x3F9D];
	s0 =	simm.s32 @p0 $0x1  }
0x13: {  	[smem:$0x3FB8] =	sst s0;
	s0 =	simm.s32 @!p1 $0x0  }
0x14: {  	s2 =	sld [smem:$0x3F9C];
	s0 =	simm.s32 @p1 $0x1  }
0x15: {  	[smem:$0x3FB9] =	sst s0;
	s0 =	simm.s32 @!p2 $0x0  }
0x16: {  	s3 =	sld [smem:$0x3FDB];
	s0 =	simm.s32 @p2 $0x1  }
0x17: {  	s4 =	simm.s32 $0x1BF5;
	[smem:$0x3FBB] =	sst s0  }
0x18: {  	s0 =	sld [smem:$0x3F9E];
	_ =	swait.ge [sflag:s4], $0x0  }
0x19: {  	s7 =	sld [smem:$0x3F9F]  }
0x1a: {  	s8 =	sadd.s32 $0xFFFFE003, lr  }
0x1b: {  	s9 =	sadd.s32 $0xFFFFFEF7, lr;
	s5 =	simm.s32 $0xFFFFFFFF;
	p2 =	slt.u32 s8, $0xFFFFF086  }
0x1c: {  	p1 =	slt.u32 s9, $0xF7A;
	s5 =	simm.s32 @!p2 $0x0  }
0x1d: {  	s5 =	simm.s32 @p1 $0x1;
	p0 =	seq.s32 s7, s2  }
0x1e: {  	s7 =	smul.u32 @!p0 $0xF7A, s2;
	p2 =	seq.s32 @!p0 s5, $0x0  }
0x1f: {  	s9 =	smul.u32 $0xF7A, s1;
	s8 =	simm.s32 @!p0 $0x1BF5;
	p2 =	por !p2, p0  }
0x20: {  	[sflag:s8] =	ssyncset.s32 @!p0 $0xFFFFF086;
	s6 =	sadd.s32 @!p0 s3, s7;
	s7 =	simm.s32 @!p0 $0x108  }
0x21: {  	s3 =	sadd.s32 s3, s9;
	s6 =	sadd.s32 @!p0 $0x88, s6;
	s7 =	simm.s32 @p2 $0x1082  }
0x22: {  	[simem:s7], [sflag:s8] =	dma.local @!p0 [hbm:s6], $0xF7A  }
0x23: {  	s9 =	sor.u32 $0xD0000000, s2;
	s6 =	simm.s32 $0x108;
	_ =	swait.ge @!p0 [sflag:s8], $0x0  }
0x24: {  	s3 =	sadd.s32 $0x88, s3;
	s6 =	simm.s32 @!p1 $0x1082;
	[sflag:s4] =	ssyncset.s32 $0xFFFFF086  }
0x25: {  	[simem:s6], [sflag:s4] =	dma.local [hbm:s3], $0xF7A  }
0x26: {  	[smem:$0x3F9F] =	sst s1;
	(tag) =	ssettag s2;
	_ =	strace s9  }
0x27: {  	s1 =	sld [smem:$0x3FAF]  }
0x28: {  	s2 =	sld [smem:$0x3FB0]  }
0x29: {  	s4 =	sld [smem:$0x3FB2]  }
0x2a: {  	p0 =	seq.s32 s5, $0x0;
	s5 =	sld [smem:$0x3FB3]  }
0x2b: {  	s6 =	sld [smem:$0x3FB4]  }
0x2c: {  	s7 =	sld [smem:$0x3FB5]  }
0x2d: {  	s3 =	simm.s32 $0x108;
	s8 =	sld [smem:$0x3FB6]  }
0x2e: {  	s3 =	simm.s32 @!p0 $0x1082;
	s9 =	sld [smem:$0x3FB7]  }
0x2f: {  	lr =	sadd.s32 s0, s3;
	s0 =	sld [smem:$0x3FAE]  }
0x30: {  	s3 =	sld [smem:$0x3FB1]  }
0x31: {  	[smem:$0x3FBA] =	sst s10  }
0x32: {  	s10 =	sld [smem:$0x3FB8];
	_ =	sdelay $0x3  }
0x33: {  	p0 =	seq.s32 s10, $0x1;
	s10 =	sld [smem:$0x3FBA];
	_ =	sdelay $0x3  }
0x34: {  	[smem:$0x3FBA] =	sst s10  }
0x35: {  	s10 =	sld [smem:$0x3FB9];
	_ =	sdelay $0x3  }
0x36: {  	p1 =	seq.s32 s10, $0x1;
	s10 =	sld [smem:$0x3FBA];
	_ =	sdelay $0x3  }
0x37: {  	[smem:$0x3FBA] =	sst s10  }
0x38: {  	s10 =	sld [smem:$0x3FBB]  }
0x39: {  	_ = 	snop;
	(pc) =	sbr.ind lr, $3  }
0x3a: {  	_ = 	snop  }
0x3b: {  	_ = 	snop  }
0x3c: {  	p2 =	seq.s32 s10, $0x1;
	s10 =	sld [smem:$0x3FBA]  }
0x3d: {  	_ =	shalt  }
0x3e: {  	_ =	shalt  }
0x3f: {  	_ =	shalt  }
0x40: {  	_ =	shalt  }
0x41: {  	_ =	shalt  }
0x42: {  	_ =	shalt  }
0x43: {  	_ =	shalt  }
0x44: {  	_ =	shalt  }
0x45: {  	_ =	shalt  }
0x46: {  	_ =	shalt  }
0x47: {  	_ =	shalt  }
0x48: {  	_ =	shalt  }
0x49: {  	_ =	shalt  }
0x4a: {  	_ =	shalt  }
0x4b: {  	_ =	shalt  }
0x4c: {  	_ =	shalt  }
0x4d: {  	_ =	shalt  }
0x4e: {  	_ =	shalt  }
0x4f: {  	_ =	shalt  }
0x50: {  	_ =	shalt  }
0x51: {  	_ =	shalt  }
0x52: {  	_ =	shalt  }
0x53: {  	_ =	shalt  }
0x54: {  	_ =	shalt  }
0x55: {  	_ =	shalt  }
0x56: {  	_ =	shalt  }
0x57: {  	_ =	shalt  }
0x58: {  	_ =	shalt  }
0x59: {  	_ =	shalt  }
0x5a: {  	_ =	shalt  }
0x5b: {  	_ =	shalt  }
0x5c: {  	_ =	shalt  }
0x5d: {  	_ =	shalt  }
0x5e: {  	_ =	shalt  }
0x5f: {  	_ =	shalt  }
0x60: {  	_ =	shalt  }
0x61: {  	_ =	shalt  }
0x62: {  	_ =	shalt  }
0x63: {  	_ =	shalt  }
0x64: {  	_ =	shalt  }
0x65: {  	_ =	shalt  }
0x66: {  	_ =	shalt  }
0x67: {  	_ =	shalt  }
0x68: {  	_ =	shalt  }
0x69: {  	_ =	shalt  }
0x6a: {  	_ =	shalt  }
0x6b: {  	_ =	shalt  }
0x6c: {  	_ =	shalt  }
0x6d: {  	_ =	shalt  }
0x6e: {  	_ =	shalt  }
0x6f: {  	_ =	shalt  }
0x70: {  	_ =	shalt  }
0x71: {  	_ =	shalt  }
0x72: {  	_ =	shalt  }
0x73: {  	_ =	shalt  }
0x74: {  	_ =	shalt  }
0x75: {  	_ =	shalt  }
0x76: {  	_ =	shalt  }
0x77: {  	_ =	shalt  }
0x78: {  	_ =	shalt  }
0x79: {  	_ =	shalt  }
0x7a: {  	_ =	shalt  }
0x7b: {  	_ =	shalt  }
0x7c: {  	_ =	shalt  }
0x7d: {  	_ =	shalt  }
0x7e: {  	_ =	shalt  }
0x7f: {  	_ =	shalt  }
0x80: {  	_ =	shalt  }
0x81: {  	_ =	shalt  }
0x82: {  	_ =	shalt  }
0x83: {  	_ =	shalt  }
0x84: {  	_ =	shalt  }
0x85: {  	_ =	shalt  }
0x86: {  	_ =	shalt  }
0x87: {  	_ =	shalt  }
.Lfunc_end0:
.L_simem_size_0:
called_computation_lowered:
.L_overlay_start_0:
0x88: {  	s0 =	sld [smem:$0x3FD9]  }
0x89: {  	s1 =	sld [smem:$0x3FFE];
	_ =	sdelay $0x3  }
0x8a: {  	s0 =	sadd.s32 s1, s0  }
0x8b: {  	[smem:$0x3FC6] =	sst s0  }
0x8c: {  	_ = 	snop  }
0x8d: {  	s0 =	sld [smem:$0x3FC9]  }
0x8e: {  	s17 =	sld [smem:$0x3FC8]  }
0x8f: {  	s2 =	sld [smem:$0x3FD0];
	(tm) =	ssettm $0x1  }
0x90: {  	s3 =	sld [smem:$0x3FFB];
	_ =	sdelay $0x3  }
0x91: {  	_ =	strace s3  }
0x92: {  	s3 =	sld [smem:$0x3FFC];
	_ =	sdelay $0x3  }
0x93: {  	_ =	strace s3  }
0x94: {  	s3 =	sld [smem:$0x3FFD];
	_ =	sdelay $0x3  }
0x95: {  	_ =	strace s3  }
0x96: {  	_ =	strace $0x8FFFFFFF  }
0x97: {  	s18 =	sld [smem:$0x3FDB];
	_ =	sdelay $0x1  }
0x98: {  	s4 =	simm.s32 $_scs_section_size  }
0x99: {  	s5 =	simm.s32 $_size__tile_overlayer_lowered;
	s6 =	simm.s32 $_tile_overlayer_lowered  }
0x9a: {  	s21 =	simm.s32 $0x1BFF;
	s20 =	sshll.u32 s6, $0x1;
	s3 =	sadd.s32 s4, s18  }
0x9b: {  	s7 =	simm.s32 $0x0;
	s19 =	sshll.u32 s5, $0x1;
	s5 =	sadd.s32 s20, s3  }
0x9c: {  	[timem:s7], [sflag:s21] =	dma.local [hbm:s5], s19  }
0x9d: {  	_ =	swait.ge [sflag:s21], s19  }
0x9e: {  	s4 =	ssub.s32 $0x0, s19;
	[sflag:s21] =	ssyncset.done $0x0  }
0x9f: {  	[sflag:s21] =	ssyncadd.s32 s4;
	_ =	sdelay $0x1  }
0xa0: {  	s22 =	simm.s32 $0x1B8B  }
0xa1: {  	_ =	swait.ge [sflag:s22], $0x1  }
0xa2: {  	[sflag:s22] =	ssyncset.done $0x0  }
0xa3: {  	s23 =	simm.s32 $0x1B8E;
	[sflag:s22] =	ssyncadd.s32 $0xFFFFFFFF  }
0xa4: {  	s24 =	simm.s32 $execute0_lowered;
	[smem:$0x3FD2] =	sst s23  }
0xa5: {  	s4 =	sshll.u32 s24, $0x1;
	_ =	strace $0x80000046;
	[dreg:$0x1] =	wrdreg $0xFFFFFFFF  }
0xa6: {  	s25 =	simm.s32 $_size_execute0_lowered;
	s3 =	sadd.s32 s3, s4;
	[dreg:$0x0] =	wrdreg $0x0  }
0xa7: {  	s4 =	sshll.u32 s25, $0x1;
	[dreg:$0x2] =	wrdreg s3  }
0xa8: {  	[dreg:$0x3] =	wrdreg s4  }
0xa9: {  	[dreg:$0x4] =	wrdreg $0xC0  }
0xaa: {  	_ =	task [dreg:s7], $0x5FFFF  }
0xab: {  	[dreg:$0x1] =	wrdreg $0xFFFFFFFF  }
0xac: {  	[dreg:$0x0] =	wrdreg $0x60  }
0xad: {  	[dreg:$0x2] =	wrdreg s0  }
0xae: {  	[dreg:$0x3] =	wrdreg s17  }
0xaf: {  	[dreg:$0x4] =	wrdreg s2  }
0xb0: {  	[dreg:$0x5] =	wrdreg $0x9  }
0xb1: {  	_ =	task.clear_ibuf [dreg:s7], $0x6FFFF;
	_ =	strace $0x90000046  }
0xb2: {  	s26 =	simm.s32 $0x9;
	_ =	strace $0x80000048  }
0xb3: {  	_ =	swait.ge [sflag:s26], $0x1  }
0xb4: {  	[sflag:s26] =	ssyncadd.s32 $0xFFFFFFFF  }
0xb5: {  	_ =	strace $0x90000048  }
0xb6: {  	_ =	sfence  }
0xb7: {  	s28 =	sld [smem:$0x0];
	_ =	sdelay $0x1  }
0xb8: {  	s29 =	srdreg.scid  }
0xb9: {  	s30 =	sshll.u32 s29, $0xD;
	s31 =	sshrl.u32 s29, $0x2  }
0xba: {  	s1 =	sand.u32 $0x1, s29;
	s2 =	sand.u32 $0x4000, s30;
	s0 =	sadd.s32 s31, s28  }
0xbb: {  	s1 =	sor.u32 s2, s1;
	s0 =	sshll.u32 s0, $0x11  }
0xbc: {  	s0 =	sor.u32 s0, s1  }
0xbd: {  	s0 =	sadd.s32 $0x8F2B, s0  }
0xbe: {  	[sflag:s0] =	ssyncadd.remote.s32 $0x1  }
0xbf: {  	_ =	sfence.sel $0xFFFF  }
0xc0: {  	[dreg:$0x0] =	wrdreg $0xFFFFFFFF;
	(pc) =	sbr.abs _section_cstart, $3  }
0xc1: {  	[dreg:$0x1] =	wrdreg $0xFFFFFFFF  }
0xc2: {  	_ =	task.clear_ibuf [dreg:s7], $0x2FFFF;
	_ =	strace $0x9FFFFFFF  }
0xc3: {  	(tm) =	ssettm $0x7FFFFFFF  }
tec
execute0_lowered:
.L_overlay_start_1:
0x0: {  	(tag) =	ssettag $0x1  }
0x1: {  	s3 =	rddreg [dreg:$0x0]  }
0x2: {  	s4 =	rddreg [dreg:$0x1]  }
0x3: {  	s1 =	rddreg [dreg:$0x2];
	s2 =	simm.s32 $0x0  }
0x4: {  	v0 =	vimm.s32 $0x0;
	[smem:$0x7FF] =	sst s2  }
0x5: {  	s0 =	rddreg [dreg:$0x3];
	_ =	strace $0x80000047;
	[tilespmem:$0x0] =	vst v0  }
0x6: {  	[tilespmem:s2], [sflag:$0x1] =	stream.linear.gather [hbm4b:s3+s2], $0x5, $0x38;
	[tilespmem:$0x1080] =	vst v63  }
0x7: {  	s25 =	simm.s32 $0x80;
	s26 =	simm.s32 $0x1  }
0x8: {  	[tilespmem:s25], [sflag:$0x2] =	stream.linear.gather [hbm4b:s4+s2], $0x800, $0x38;
	[tilespmem:$0x1080] =	vst v63  }
0x9: {  	_ =	swait.ge [sflag:s26], $0x5  }
0xa: {  	[sflag:s26] =	ssyncset.done $0x0  }
0xb: {  	[sflag:s26] =	ssyncadd.s32 $0xFFFFFFFB  }
0xc: {  	v1 =	vld [tilespmem:$0x0];
	_ =	sdelay $0x4  }
0xd: {  	vm0 =	veq.s32 v1, $0x1  }
0xe: {  	v0 =	vsel vm0, $0x3F800000, v0  }
0xf: {  	(xrf2) =	vadd.scan.msk.f32 $0xffff, v0;
	_ =	sdelay $0x9  }
0x10: {  	v1, _, _ =	vpop (xrf2)  }
0x11: {  	(v2sf) =	vpush v1, $0xF;
	_ =	sdelay $0xe  }
0x12: {  	s28 =	spop (v2sf)  }
0x13: {  	p0 =	seq.f32 s28, $0.0e+00  }
0x14: {  	vm11 =	vcmask $0x300;
	s3 =	simm.f32 $1.000000000e+00;
	v1 =	vimm.f32 $0.0e+00  }
0x15: {  	v2 =	vsel vm11, $0x3F800000, v1;
	s3 =	simm.s32 @!p0 $0x0  }
0x16: {  	v3 =	vmul.f32 s3, v2;
	_ =	sdelay $0x1  }
0x17: {  	v0 =	vadd.f32 v0, v3  }
0x18: {  	vm12 =	vcmask $0x704  }
0x19: {  	vm13 =	vcmask $0xB08;
	v3 =	vsel vm12, $0x3F800000, v1;
	v2 =	vmul.f32 v2, v0  }
0x1a: {  	vm14 =	vcmask $0xF0C;
	v4 =	vsel vm13, $0x3F800000, v1;
	(xrf2) =	vadd.scan.msk.f32 $0xffff, v0;
	v3 =	vmul.f32 v3, v0  }
0x1b: {  	vm15 =	vcmask $0x1310;
	(xrf2) =	vadd.scan.msk.f32 $0xffff, v2;
	v2 =	vmul.f32 v4, v0;
	v4 =	vsel vm14, $0x3F800000, v1  }
0x1c: {  	v1 =	vsel vm15, $0x3F800000, v1;
	(xrf2) =	vadd.scan.msk.f32 $0xffff, v3;
	v3 =	vmul.f32 v4, v0  }
0x1d: {  	v0 =	vmul.f32 v1, v0;
	(xrf2) =	vadd.scan.msk.f32 $0xffff, v2  }
0x1e: {  	(xrf2) =	vadd.scan.msk.f32 $0xffff, v3  }
0x1f: {  	(xrf2) =	vadd.scan.msk.f32 $0xffff, v0;
	_ =	sdelay $0x4  }
0x20: {  	v0, _, _ =	vpop (xrf2)  }
0x21: {  	v1, _, _ =	vpop (xrf2)  }
0x22: {  	v2, _, _ =	vpop (xrf2)  }
0x23: {  	v3, _, _ =	vpop (xrf2)  }
0x24: {  	v4, _, _ =	vpop (xrf2)  }
0x25: {  	s29 =	simm.s32 $0x2;
	v5, _, _ =	vpop (xrf2)  }
0x26: {  	s30 =	sand.u32 $0xFFFFFC00, s2;
	_ =	swait.ge [sflag:s29], $0x800  }
0x27: {  	s5 =	sand.u32 $0x70, s2;
	s6 =	sand.u32 $0x400, s2;
	[sflag:s29] =	ssyncset.done $0x0  }
0x28: {  	s4 =	sadd.s32 $0x0, s30;
	s3 =	sor.u32 s5, s6;
	[sflag:s29] =	ssyncadd.s32 $0xFFFFF800  }
0x29: {  	s31 =	sor.u32 $0x80, s4;
	v6 =	vld [tilespmem:s3+$0x80]  }
0x2a: {  	v7 =	vld [tilespmem:s31+$0x80];
	_ =	sdelay $0x1  }
0x2b: {  	v8 =	vbroadcast v0, $0xF;
	v9 =	vld [tilespmem:s3+$0x180]  }
0x2c: {  	s4 =	sor.u32 $0x180, s4;
	v0 =	vbroadcast v1, $0xF;
	v1 =	vbroadcast v2, $0xF  }
0x2d: {  	v2 =	vbroadcast v3, $0xF;
	(erf) = vrcp.f32 v8;
	v8 =	vld [tilespmem:s4+$0x80]  }
0x2e: {  	v6 =	vmul.f32 v6, v0;
	v7 =	vmul.f32 v7, v1;
	_ =	sdelay $0x1  }
0x2f: {  	v3 =	vbroadcast v4, $0xF;
	v10 =	vld [tilespmem:s3+$0x280];
	v6 =	vadd.f32 v7, v6;
	v7 =	vmul.f32 v9, v2;
	_ =	sdelay $0x1  }
0x30: {  	v4 =	vbroadcast v5, $0xF;
	v5 =	vadd.f32 v7, v6;
	v6 =	vmul.f32 v8, v3;
	_ =	sdelay $0x1  }
0x31: {  	v5 =	vadd.f32 v6, v5  }
0x32: {  	v6 =	vmul.f32 v10, v4;
	_ =	sdelay $0x1  }
0x33: {  	v6 =	vadd.f32 v6, v5  }
0x34: {  	v5 =	vpop (erf)  }
0x35: {  	v6 =	vmul.f32 v6, v5;
	_ =	sdelay $0x1  }
0x36: {  	[tilespmem:s3+$0x880] =	vst v6  }
0x37: {  	[tilespmem:s31+$0x880] =	vst v6  }
0x38: {  	[tilespmem:s3+$0x980] =	vst v6  }
0x39: {  	[tilespmem:s4+$0x880] =	vst v6  }
0x3a: {  	s5 =	simm.s32 $0x10;
	s6 =	sor.u32 s2, s2;
	s4 =	stileid.u32;
	[tilespmem:s3+$0xB80] =	vst v6  }
.LBB2_1:
0x3b: {  	p0 =	sne.s32 s5, $0xF0  }
0x3c: {  	[tilespmem:s3+$0xA80] =	vst v6;
	s6 =	sor.u32 $0x380, s6;
	s2 =	sadd.s32 $0x80, s2;
	s7 =	smov.u32 s5  }
0x3d: {  	s9 =	sand.u32 $0x70, s5;
	s8 =	sand.u32 $0xFFFFFC00, s2;
	s10 =	sand.u32 $0x400, s2;
	[tilespmem:s3+$0xB00] =	vst v6  }
0x3e: {  	s5 =	sadd.s32 $0x10, s5;
	s3 =	sor.u32 s9, s10;
	s8 =	sadd.s32 s8, s7;
	[tilespmem:s6+$0x880] =	vst v6  }
0x3f: {  	v6 =	vld [tilespmem:s3+$0x80];
	s6 =	sor.u32 $0x80, s8  }
0x40: {  	v7 =	vld [tilespmem:s6+$0x80];
	_ =	sdelay $0x1  }
0x41: {  	v8 =	vld [tilespmem:s3+$0x180]  }
0x42: {  	s8 =	sor.u32 $0x180, s8  }
0x43: {  	v9 =	vld [tilespmem:s8+$0x80]  }
0x44: {  	v6 =	vmul.f32 v6, v0;
	v7 =	vmul.f32 v7, v1  }
0x45: {  	v10 =	vld [tilespmem:s3+$0x280]  }
0x46: {  	v6 =	vadd.f32 v7, v6;
	v7 =	vmul.f32 v8, v2;
	_ =	sdelay $0x1  }
0x47: {  	v6 =	vadd.f32 v7, v6;
	v7 =	vmul.f32 v9, v3;
	_ =	sdelay $0x1  }
0x48: {  	v6 =	vadd.f32 v7, v6;
	v7 =	vmul.f32 v10, v4;
	_ =	sdelay $0x1  }
0x49: {  	v6 =	vadd.f32 v7, v6;
	_ =	sdelay $0x1  }
0x4a: {  	v6 =	vmul.f32 v6, v5;
	_ =	sdelay $0x1  }
.Ltmp0:
0x4b: {  	[tilespmem:s3+$0x880] =	vst v6;
	(pc) =	sbr.rel @p0 .LBB2_1-.Ltmp0, $4  }
0x4c: {  	[tilespmem:s6+$0x880] =	vst v6  }
0x4d: {  	[tilespmem:s3+$0x980] =	vst v6  }
0x4e: {  	[tilespmem:s8+$0x880] =	vst v6  }
0x4f: {  	s6 =	sor.u32 s2, s7;
	[tilespmem:s3+$0xB80] =	vst v6  }
0x50: {  	[tilespmem:s3+$0xA80] =	vst v6  }
0x51: {  	s2 =	sor.u32 $0x380, s6;
	[tilespmem:s3+$0xB00] =	vst v6;
	s28 =	sshll.u32 s4, $0x8;
	s29 =	simm.s32 $0x0  }
0x52: {  	s30 =	simm.s32 $0x880;
	s31 =	simm.s32 $0x3;
	[tilespmem:s2+$0x880] =	vst v6;
	s1 =	sadd.s32 s1, s28  }
0x53: {  	[hbm4b:s1+s29] =	stream.linear.scatter [tilespmem:s30], [sflag:$0x3], $0x800, $0x38;
	[tilespmem:$0x1080] =	vst v63  }
0x54: {  	_ =	swait.ge [sflag:s31], $0x800  }
0x55: {  	[sflag:s31] =	ssyncset.done $0x0  }
0x56: {  	[sflag:s31] =	ssyncadd.s32 $0xFFFFF800  }
0x57: {  	_ =	sfence.sel $0x180000  }
0x58: {  	[bflag:$0x0] =	sbarrier.arrive $0xFFFF  }
0x59: {  	p0 =	sne.s32 s4, $0x0;
	_ =	strace $0x90000047  }
0x5a: {  	s0 =	sadd.s32 @!p0 $0x100000, s0;
	[bflag:$0x2] =	sbarrier.arrive $0xFFFF  }
0x5b: {  	[sflag:s0] =	ssyncadd.tile.s32 @!p0 $0x1;
	_ =	shalt  }
.Lfunc_end2:
_tile_overlayer_lowered:
.L_overlay_start_2:
0x5c: {  	(tag) =	ssettag $0x2  }
0x5d: {  	s0 =	rddreg [dreg:$0x0];
	s2 =	stileid.u32  }
0x5e: {  	s1 =	rddreg [dreg:$0x1];
	p0 =	sne.s32 s2, $0x0  }
0x5f: {  	s3 =	rddreg [dreg:$0x2];
	[bflag:$0x3] =	sbarrier.arrive $0xFFFF;
	s2 =	simm.s32 @!p0 $0x1C03  }
0x60: {  	[timem:s3], [sflag:s2] =	dma.local @!p0 [hbm:s0], s1  }
0x61: {  	s0 =	simm.s32 @!p0 $0x3  }
0x62: {  	_ =	swait.ge @!p0 [sflag:s0], s1  }
0x63: {  	s1 =	ssub.s32 @!p0 $0x0, s1;
	[sflag:s0] =	ssyncset.done @!p0 $0x0  }
0x64: {  	[sflag:s0] =	ssyncadd.s32 @!p0 s1  }
0x65: {  	[bflag:$0x3] =	sbarrier.arrive $0xFFFF  }
0x66: {  	_ =	shalt  }

</sc_bundles>
